<compile_context>
chip_gen: v7x
topology: tpu7x:2x2x1
jax: 0.10.2.dev20260603
libtpu: 0.0.44.dev20260713+nightly
codegen_flags: <defaults>
</compile_context>

<pallas_src>
import functools

import jax
import jax.numpy as jnp
from jax import lax
from jax.experimental import pallas as pl
from jax.experimental.pallas import tpu as pltpu
from jax.experimental.pallas import tpu_sc as plsc

_NC = 2
_NS = 16
_CH = 32


def _sc_body(vel_hbm, pe_hbm, out_hbm, vel_v, idx_lo, idx_hi, low_v, high_v,
             out_v, sem, *, max_len, seq_len):
    rows_per_worker = seq_len // (_NC * _NS)
    n_chunks = rows_per_worker // _CH
    wid = lax.axis_index("s") * _NC + lax.axis_index("c")
    base = wid * rows_per_worker

    pltpu.sync_copy(vel_hbm, vel_v)
    v = jnp.clip(vel_v[...], 0.0, 0.999)
    u = 1.0 - v * v
    r = jnp.full((16,), 1.0)
    for _ in range(14):
        r = r * (1.5 - 0.5 * u * r * r)
    inv_gamma = u * r
    top = jnp.float32(max_len - 1)

    def chunk_body(c, carry):
        t0 = pl.multiple_of(base + c * _CH, _CH)
        for j in range(_CH // 16):
            tv = (t0 + j * 16 + lax.iota(jnp.int32, 16)).astype(jnp.float32)
            relv = jnp.minimum(tv * inv_gamma, top)
            lowv = relv.astype(jnp.int32)
            idx_lo[pl.ds(j * 16, 16)] = lowv
            idx_hi[pl.ds(j * 16, 16)] = jnp.minimum(lowv + 1, max_len - 1)
        pltpu.async_copy(pe_hbm.at[idx_lo], low_v, sem).wait()
        pltpu.async_copy(pe_hbm.at[idx_hi], high_v, sem).wait()

        def row_body(rr, carry2):
            tvec = jnp.broadcast_to((t0 + rr).astype(jnp.float32), (16,))
            rel = jnp.minimum(tvec * inv_gamma, top)
            w = rel - rel.astype(jnp.int32).astype(jnp.float32)

            def h_body(h, carry3):
                sl = pl.ds(h * 16, 16)
                lo = low_v[rr, sl]
                hi = high_v[rr, sl]
                out_v[rr, sl] = lo + w * (hi - lo)
                return carry3

            return lax.fori_loop(0, 64, h_body, carry2)

        lax.fori_loop(0, _CH, row_body, 0)
        pltpu.sync_copy(out_v, out_hbm.at[pl.ds(t0, _CH)])
        return carry

    lax.fori_loop(0, n_chunks, chunk_body, 0)


def _sc_pe(velocity, pe_base, seq_len):
    max_len, hidden = pe_base.shape
    vel16 = jnp.broadcast_to(velocity, (16,))
    body = functools.partial(_sc_body, max_len=max_len, seq_len=seq_len)
    mesh = plsc.VectorSubcoreMesh(core_axis_name="c", subcore_axis_name="s")
    return pl.kernel(
        body,
        mesh=mesh,
        out_type=jax.ShapeDtypeStruct((seq_len, hidden), jnp.float32),
        scratch_types=[
            pltpu.VMEM((16,), jnp.float32),
            pltpu.VMEM((_CH,), jnp.int32),
            pltpu.VMEM((_CH,), jnp.int32),
            pltpu.VMEM((_CH, hidden), jnp.float32),
            pltpu.VMEM((_CH, hidden), jnp.float32),
            pltpu.VMEM((_CH, hidden), jnp.float32),
            pltpu.SemaphoreType.DMA,
        ],
    )(vel16, pe_base)


def _tc_add(x_ref, pe_ref, out_ref):
    out_ref[...] = x_ref[...] + pe_ref[...][None, :, :]


def kernel(x, velocity, pe_base):
    batch, seq_len, hidden = x.shape
    pe = _sc_pe(velocity, pe_base, seq_len)
    S = 256
    return pl.pallas_call(
        _tc_add,
        grid=(seq_len // S,),
        in_specs=[
            pl.BlockSpec((batch, S, hidden), lambda i: (0, i, 0)),
            pl.BlockSpec((S, hidden), lambda i: (i, 0)),
        ],
        out_specs=pl.BlockSpec((batch, S, hidden), lambda i: (0, i, 0)),
        out_shape=jax.ShapeDtypeStruct((batch, seq_len, hidden), x.dtype),
    )(x, pe)

# --- scband reference (transcript-rebuilt; emitter-appended) ---
"""Pipeline reference for scband-relativistic-positional-encoding-45183055954007 (READ-ONLY COPY).

The authoritative reference and input builder live on the scoring server;
editing this copy changes nothing except your own understanding.
"""

import jax, jax.numpy as jnp
import numpy as np
import math

HIDDEN_DIM = 1024
MAX_LEN = 8192
BATCH = 4
SEQ_LEN = 8192


def _make_pe_base():
    position = np.arange(0, MAX_LEN, dtype=np.float64)[:, None]
    div_term = np.exp(np.arange(0, HIDDEN_DIM, 2, dtype=np.float64) * -(math.log(10000.0) / HIDDEN_DIM))
    pe = np.zeros((MAX_LEN, HIDDEN_DIM), dtype=np.float64)
    pe[:, 0::2] = np.sin(position * div_term)
    pe[:, 1::2] = np.cos(position * div_term)
    return jnp.asarray(pe, dtype=jnp.float32)


def setup_inputs(seed: int = 0) -> dict:
    key = jax.random.key(seed)
    k_x = jax.random.fold_in(key, 0)
    x = jax.random.normal(k_x, (BATCH, SEQ_LEN, HIDDEN_DIM), dtype=jnp.float32)
    velocity = jnp.array([0.5], dtype=jnp.float32)
    pe_base = _make_pe_base()
    return {"x": x, "velocity": velocity, "pe_base": pe_base}


def reference(x, velocity, pe_base):
    max_len = pe_base.shape[0]
    seq_len = x.shape[1]
    v = jnp.clip(velocity, 0.0, 0.999)
    gamma = 1.0 / jnp.sqrt(1.0 - v ** 2)  # shape [1]
    positions = jnp.arange(seq_len, dtype=jnp.float32)
    rel_positions = positions / gamma[0]
    rel_positions = jnp.clip(rel_positions, 0.0, float(max_len - 1))
    rel_floor = jnp.floor(rel_positions)
    rel_idx_low = rel_floor.astype(jnp.int32)
    rel_idx_high = jnp.minimum(rel_idx_low + 1, max_len - 1)
    rel_weight_high = rel_positions - rel_floor
    rel_weight_low = 1.0 - rel_weight_high
    pe = (jnp.take(pe_base, rel_idx_low, axis=0) * rel_weight_low[:, None]
          + jnp.take(pe_base, rel_idx_high, axis=0) * rel_weight_high[:, None])
    # dropout p=0.0 -> identity
    return x + pe[None, :, :]

if __name__ == "__main__":
    import jax
    _d = setup_inputs()
    print(jax.jit(kernel)(*tuple(_d.values())))

</pallas_src>

<mosaic_0001>
#map = affine_map<(d0, d1) -> (0)>
#map1 = affine_map<(d0, d1) -> (0, 0)>
module attributes {stable_mosaic.version = 14 : i64} {
  func.func @_sc_body(%arg0: i32, %arg1: i32, %arg2: memref<16xf32, #tpu.memory_space<hbm>>, %arg3: memref<8192x1024xf32, #tpu.memory_space<hbm>>, %arg4: memref<8192x1024xf32, #tpu.memory_space<hbm>>, %arg5: memref<16xf32, #tpu.memory_space<vmem>>, %arg6: memref<32xi32, #tpu.memory_space<vmem>>, %arg7: memref<32xi32, #tpu.memory_space<vmem>>, %arg8: memref<32x1024xf32, #tpu.memory_space<vmem>>, %arg9: memref<32x1024xf32, #tpu.memory_space<vmem>>, %arg10: memref<32x1024xf32, #tpu.memory_space<vmem>>, %arg11: memref<!tpu.dma_semaphore, #tpu.memory_space<semaphore_mem>>) attributes {dimension_semantics = [#tpu.dimension_semantics<core_parallel>, #tpu.dimension_semantics<subcore_parallel>], iteration_bounds = array<i64: 2, 16>, scalar_prefetch = 0 : i64, scratch_operands = 7 : i64, tpu.core_type = #tpu.core_type<sc_vector_subcore>, window_params = [{transform_indices = #map}, {transform_indices = #map1}, {transform_indices = #map1}]} {
    %mul3A = arith.constant 2 : i32
    %mul3A_0 = arith.muli %arg1, %mul3A : i32
    %add3A = arith.addi %mul3A_0, %arg0 : i32
    %mul3A_1 = arith.constant 256 : i32
    %mul3A_2 = arith.muli %add3A, %mul3A_1 : i32
    "tpu.region"() ({
      %run_scoped3A = tpu.sem_alloc : memref<!tpu.dma_semaphore, #tpu.memory_space<semaphore_mem>>
      tpu.enqueue_dma source(%arg2 : memref<16xf32, #tpu.memory_space<hbm>>) target(%arg5 : memref<16xf32, #tpu.memory_space<vmem>>) target_semaphore(%run_scoped3A : memref<!tpu.dma_semaphore, #tpu.memory_space<semaphore_mem>>)
      tpu.wait_dma2 semaphore(%run_scoped3A : memref<!tpu.dma_semaphore, #tpu.memory_space<semaphore_mem>>) src(%arg2 : memref<16xf32, #tpu.memory_space<hbm>>) dst(%arg5 : memref<16xf32, #tpu.memory_space<vmem>>)
      tpu.yield
    }) : () -> ()
    %get3A = arith.constant 0 : index
    %get3A_3 = tpu.vector_load %arg5[%get3A] {strides = array<i32>} : memref<16xf32, #tpu.memory_space<vmem>>, vector<16xf32>,
    %get3A_4 = vector.shape_cast %get3A_3 : vector<16xf32> to vector<16xf32>
    %jit3A = arith.constant 0.000000e+00 : f32
    %jit3A_5 = arith.constant 9.990000e-01 : f32
    %max3A = vector.broadcast %jit3A : f32 to vector<16xf32>
    %max3A_6 = arith.maximumf %max3A, %get3A_4 : vector<16xf32>
    %min3A = vector.broadcast %jit3A_5 : f32 to vector<16xf32>
    %min3A_7 = arith.minimumf %min3A, %max3A_6 : vector<16xf32>
    %mul3A_8 = arith.mulf %min3A_7, %min3A_7 : vector<16xf32>
    %sub3A = arith.constant 1.000000e+00 : f32
    %sub3A_9 = vector.broadcast %sub3A : f32 to vector<16xf32>
    %sub3A_10 = arith.subf %sub3A_9, %mul3A_8 : vector<16xf32>
    %broadcast_in_dim3A = arith.constant 1.000000e+00 : f32
    %broadcast_in_dim3A_11 = vector.broadcast %broadcast_in_dim3A : f32 to vector<16xf32>
    %mul3A_12 = arith.constant 5.000000e-01 : f32
    %mul3A_13 = vector.broadcast %mul3A_12 : f32 to vector<16xf32>
    %mul3A_14 = arith.mulf %mul3A_13, %sub3A_10 : vector<16xf32>
    %mul3A_15 = arith.mulf %mul3A_14, %broadcast_in_dim3A_11 : vector<16xf32>
    %mul3A_16 = arith.mulf %mul3A_15, %broadcast_in_dim3A_11 : vector<16xf32>
    %sub3A_17 = arith.constant 1.500000e+00 : f32
    %sub3A_18 = vector.broadcast %sub3A_17 : f32 to vector<16xf32>
    %sub3A_19 = arith.subf %sub3A_18, %mul3A_16 : vector<16xf32>
    %mul3A_20 = arith.mulf %broadcast_in_dim3A_11, %sub3A_19 : vector<16xf32>
    %mul3A_21 = arith.constant 5.000000e-01 : f32
    %mul3A_22 = vector.broadcast %mul3A_21 : f32 to vector<16xf32>
    %mul3A_23 = arith.mulf %mul3A_22, %sub3A_10 : vector<16xf32>
    %mul3A_24 = arith.mulf %mul3A_23, %mul3A_20 : vector<16xf32>
    %mul3A_25 = arith.mulf %mul3A_24, %mul3A_20 : vector<16xf32>
    %sub3A_26 = arith.constant 1.500000e+00 : f32
    %sub3A_27 = vector.broadcast %sub3A_26 : f32 to vector<16xf32>
    %sub3A_28 = arith.subf %sub3A_27, %mul3A_25 : vector<16xf32>
    %mul3A_29 = arith.mulf %mul3A_20, %sub3A_28 : vector<16xf32>
    %mul3A_30 = arith.constant 5.000000e-01 : f32
    %mul3A_31 = vector.broadcast %mul3A_30 : f32 to vector<16xf32>
    %mul3A_32 = arith.mulf %mul3A_31, %sub3A_10 : vector<16xf32>
    %mul3A_33 = arith.mulf %mul3A_32, %mul3A_29 : vector<16xf32>
    %mul3A_34 = arith.mulf %mul3A_33, %mul3A_29 : vector<16xf32>
    %sub3A_35 = arith.constant 1.500000e+00 : f32
    %sub3A_36 = vector.broadcast %sub3A_35 : f32 to vector<16xf32>
    %sub3A_37 = arith.subf %sub3A_36, %mul3A_34 : vector<16xf32>
    %mul3A_38 = arith.mulf %mul3A_29, %sub3A_37 : vector<16xf32>
    %mul3A_39 = arith.constant 5.000000e-01 : f32
    %mul3A_40 = vector.broadcast %mul3A_39 : f32 to vector<16xf32>
    %mul3A_41 = arith.mulf %mul3A_40, %sub3A_10 : vector<16xf32>
    %mul3A_42 = arith.mulf %mul3A_41, %mul3A_38 : vector<16xf32>
    %mul3A_43 = arith.mulf %mul3A_42, %mul3A_38 : vector<16xf32>
    %sub3A_44 = arith.constant 1.500000e+00 : f32
    %sub3A_45 = vector.broadcast %sub3A_44 : f32 to vector<16xf32>
    %sub3A_46 = arith.subf %sub3A_45, %mul3A_43 : vector<16xf32>
    %mul3A_47 = arith.mulf %mul3A_38, %sub3A_46 : vector<16xf32>
    %mul3A_48 = arith.constant 5.000000e-01 : f32
    %mul3A_49 = vector.broadcast %mul3A_48 : f32 to vector<16xf32>
    %mul3A_50 = arith.mulf %mul3A_49, %sub3A_10 : vector<16xf32>
    %mul3A_51 = arith.mulf %mul3A_50, %mul3A_47 : vector<16xf32>
    %mul3A_52 = arith.mulf %mul3A_51, %mul3A_47 : vector<16xf32>
    %sub3A_53 = arith.constant 1.500000e+00 : f32
    %sub3A_54 = vector.broadcast %sub3A_53 : f32 to vector<16xf32>
    %sub3A_55 = arith.subf %sub3A_54, %mul3A_52 : vector<16xf32>
    %mul3A_56 = arith.mulf %mul3A_47, %sub3A_55 : vector<16xf32>
    %mul3A_57 = arith.constant 5.000000e-01 : f32
    %mul3A_58 = vector.broadcast %mul3A_57 : f32 to vector<16xf32>
    %mul3A_59 = arith.mulf %mul3A_58, %sub3A_10 : vector<16xf32>
    %mul3A_60 = arith.mulf %mul3A_59, %mul3A_56 : vector<16xf32>
    %mul3A_61 = arith.mulf %mul3A_60, %mul3A_56 : vector<16xf32>
    %sub3A_62 = arith.constant 1.500000e+00 : f32
    %sub3A_63 = vector.broadcast %sub3A_62 : f32 to vector<16xf32>
    %sub3A_64 = arith.subf %sub3A_63, %mul3A_61 : vector<16xf32>
    %mul3A_65 = arith.mulf %mul3A_56, %sub3A_64 : vector<16xf32>
    %mul3A_66 = arith.constant 5.000000e-01 : f32
    %mul3A_67 = vector.broadcast %mul3A_66 : f32 to vector<16xf32>
    %mul3A_68 = arith.mulf %mul3A_67, %sub3A_10 : vector<16xf32>
    %mul3A_69 = arith.mulf %mul3A_68, %mul3A_65 : vector<16xf32>
    %mul3A_70 = arith.mulf %mul3A_69, %mul3A_65 : vector<16xf32>
    %sub3A_71 = arith.constant 1.500000e+00 : f32
    %sub3A_72 = vector.broadcast %sub3A_71 : f32 to vector<16xf32>
    %sub3A_73 = arith.subf %sub3A_72, %mul3A_70 : vector<16xf32>
    %mul3A_74 = arith.mulf %mul3A_65, %sub3A_73 : vector<16xf32>
    %mul3A_75 = arith.constant 5.000000e-01 : f32
    %mul3A_76 = vector.broadcast %mul3A_75 : f32 to vector<16xf32>
    %mul3A_77 = arith.mulf %mul3A_76, %sub3A_10 : vector<16xf32>
    %mul3A_78 = arith.mulf %mul3A_77, %mul3A_74 : vector<16xf32>
    %mul3A_79 = arith.mulf %mul3A_78, %mul3A_74 : vector<16xf32>
    %sub3A_80 = arith.constant 1.500000e+00 : f32
    %sub3A_81 = vector.broadcast %sub3A_80 : f32 to vector<16xf32>
    %sub3A_82 = arith.subf %sub3A_81, %mul3A_79 : vector<16xf32>
    %mul3A_83 = arith.mulf %mul3A_74, %sub3A_82 : vector<16xf32>
    %mul3A_84 = arith.constant 5.000000e-01 : f32
    %mul3A_85 = vector.broadcast %mul3A_84 : f32 to vector<16xf32>
    %mul3A_86 = arith.mulf %mul3A_85, %sub3A_10 : vector<16xf32>
    %mul3A_87 = arith.mulf %mul3A_86, %mul3A_83 : vector<16xf32>
    %mul3A_88 = arith.mulf %mul3A_87, %mul3A_83 : vector<16xf32>
    %sub3A_89 = arith.constant 1.500000e+00 : f32
    %sub3A_90 = vector.broadcast %sub3A_89 : f32 to vector<16xf32>
    %sub3A_91 = arith.subf %sub3A_90, %mul3A_88 : vector<16xf32>
    %mul3A_92 = arith.mulf %mul3A_83, %sub3A_91 : vector<16xf32>
    %mul3A_93 = arith.constant 5.000000e-01 : f32
    %mul3A_94 = vector.broadcast %mul3A_93 : f32 to vector<16xf32>
    %mul3A_95 = arith.mulf %mul3A_94, %sub3A_10 : vector<16xf32>
    %mul3A_96 = arith.mulf %mul3A_95, %mul3A_92 : vector<16xf32>
    %mul3A_97 = arith.mulf %mul3A_96, %mul3A_92 : vector<16xf32>
    %sub3A_98 = arith.constant 1.500000e+00 : f32
    %sub3A_99 = vector.broadcast %sub3A_98 : f32 to vector<16xf32>
    %sub3A_100 = arith.subf %sub3A_99, %mul3A_97 : vector<16xf32>
    %mul3A_101 = arith.mulf %mul3A_92, %sub3A_100 : vector<16xf32>
    %mul3A_102 = arith.constant 5.000000e-01 : f32
    %mul3A_103 = vector.broadcast %mul3A_102 : f32 to vector<16xf32>
    %mul3A_104 = arith.mulf %mul3A_103, %sub3A_10 : vector<16xf32>
    %mul3A_105 = arith.mulf %mul3A_104, %mul3A_101 : vector<16xf32>
    %mul3A_106 = arith.mulf %mul3A_105, %mul3A_101 : vector<16xf32>
    %sub3A_107 = arith.constant 1.500000e+00 : f32
    %sub3A_108 = vector.broadcast %sub3A_107 : f32 to vector<16xf32>
    %sub3A_109 = arith.subf %sub3A_108, %mul3A_106 : vector<16xf32>
    %mul3A_110 = arith.mulf %mul3A_101, %sub3A_109 : vector<16xf32>
    %mul3A_111 = arith.constant 5.000000e-01 : f32
    %mul3A_112 = vector.broadcast %mul3A_111 : f32 to vector<16xf32>
    %mul3A_113 = arith.mulf %mul3A_112, %sub3A_10 : vector<16xf32>
    %mul3A_114 = arith.mulf %mul3A_113, %mul3A_110 : vector<16xf32>
    %mul3A_115 = arith.mulf %mul3A_114, %mul3A_110 : vector<16xf32>
    %sub3A_116 = arith.constant 1.500000e+00 : f32
    %sub3A_117 = vector.broadcast %sub3A_116 : f32 to vector<16xf32>
    %sub3A_118 = arith.subf %sub3A_117, %mul3A_115 : vector<16xf32>
    %mul3A_119 = arith.mulf %mul3A_110, %sub3A_118 : vector<16xf32>
    %mul3A_120 = arith.constant 5.000000e-01 : f32
    %mul3A_121 = vector.broadcast %mul3A_120 : f32 to vector<16xf32>
    %mul3A_122 = arith.mulf %mul3A_121, %sub3A_10 : vector<16xf32>
    %mul3A_123 = arith.mulf %mul3A_122, %mul3A_119 : vector<16xf32>
    %mul3A_124 = arith.mulf %mul3A_123, %mul3A_119 : vector<16xf32>
    %sub3A_125 = arith.constant 1.500000e+00 : f32
    %sub3A_126 = vector.broadcast %sub3A_125 : f32 to vector<16xf32>
    %sub3A_127 = arith.subf %sub3A_126, %mul3A_124 : vector<16xf32>
    %mul3A_128 = arith.mulf %mul3A_119, %sub3A_127 : vector<16xf32>
    %mul3A_129 = arith.constant 5.000000e-01 : f32
    %mul3A_130 = vector.broadcast %mul3A_129 : f32 to vector<16xf32>
    %mul3A_131 = arith.mulf %mul3A_130, %sub3A_10 : vector<16xf32>
    %mul3A_132 = arith.mulf %mul3A_131, %mul3A_128 : vector<16xf32>
    %mul3A_133 = arith.mulf %mul3A_132, %mul3A_128 : vector<16xf32>
    %sub3A_134 = arith.constant 1.500000e+00 : f32
    %sub3A_135 = vector.broadcast %sub3A_134 : f32 to vector<16xf32>
    %sub3A_136 = arith.subf %sub3A_135, %mul3A_133 : vector<16xf32>
    %mul3A_137 = arith.mulf %mul3A_128, %sub3A_136 : vector<16xf32>
    %mul3A_138 = arith.mulf %sub3A_10, %mul3A_137 : vector<16xf32>
    %scan3A = arith.constant 0 : i32
    %scan3A_139 = arith.constant 8.191000e+03 : f32
    %scan3A_140 = arith.constant 0 : i32
    %scan3A_141 = arith.constant 8 : i32
    %scan3A_142 = arith.addi %scan3A_140, %scan3A_141 : i32
    %scan3A_143 = arith.constant 1 : i32
    scf.for %scan3A_145 = %scan3A_140 to %scan3A_142 step %scan3A_143  : i32 {
      %mul3A_146 = arith.constant 32 : i32
      %mul3A_147 = arith.muli %scan3A_145, %mul3A_146 : i32
      %add3A_148 = arith.addi %mul3A_2, %mul3A_147 : i32
      %multiple_of3A = tpu.assume_multiple %add3A_148, 32 : i32
      %add3A_149 = arith.constant 0 : i32
      %add3A_150 = arith.addi %multiple_of3A, %add3A_149 : i32
      %iota3A = tpu.iota {dimensions = array<i32: 0>} : vector<16xi32>
      %add3A_151 = vector.broadcast %add3A_150 : i32 to vector<16xi32>
      %add3A_152 = arith.addi %add3A_151, %iota3A : vector<16xi32>
      %convert_element_type3A = arith.sitofp %add3A_152 : vector<16xi32> to vector<16xf32>
      %mul3A_153 = arith.mulf %convert_element_type3A, %mul3A_138 : vector<16xf32>
      %min3A_154 = vector.broadcast %scan3A_139 : f32 to vector<16xf32>
      %min3A_155 = arith.minimumf %mul3A_153, %min3A_154 : vector<16xf32>
      %convert_element_type3A_156 = arith.fptosi %min3A_155 : vector<16xf32> to vector<16xi32>
      %swap3A = arith.constant 0 : index
      %swap3A_157 = tpu.vector_load %arg6[%swap3A] {strides = array<i32>} : memref<32xi32, #tpu.memory_space<vmem>>, vector<16xi32>,
      %swap3A_158 = vector.shape_cast %swap3A_157 : vector<16xi32> to vector<16xi32>
      %swap3A_159 = vector.shape_cast %convert_element_type3A_156 : vector<16xi32> to vector<16xi32>
      tpu.vector_store %arg6[%swap3A], %swap3A_159 {strides = array<i32>} : memref<32xi32, #tpu.memory_space<vmem>>, vector<16xi32>,
      %add3A_160 = arith.constant 1 : i32
      %add3A_161 = vector.broadcast %add3A_160 : i32 to vector<16xi32>
      %add3A_162 = arith.addi %convert_element_type3A_156, %add3A_161 : vector<16xi32>
      %min3A_163 = arith.constant 8191 : i32
      %min3A_164 = vector.broadcast %min3A_163 : i32 to vector<16xi32>
      %min3A_165 = arith.minsi %add3A_162, %min3A_164 : vector<16xi32>
      %swap3A_166 = arith.constant 0 : index
      %swap3A_167 = tpu.vector_load %arg7[%swap3A_166] {strides = array<i32>} : memref<32xi32, #tpu.memory_space<vmem>>, vector<16xi32>,
      %swap3A_168 = vector.shape_cast %swap3A_167 : vector<16xi32> to vector<16xi32>
      %swap3A_169 = vector.shape_cast %min3A_165 : vector<16xi32> to vector<16xi32>
      tpu.vector_store %arg7[%swap3A_166], %swap3A_169 {strides = array<i32>} : memref<32xi32, #tpu.memory_space<vmem>>, vector<16xi32>,
      %add3A_170 = arith.constant 16 : i32
      %add3A_171 = arith.addi %multiple_of3A, %add3A_170 : i32
      %iota3A_172 = tpu.iota {dimensions = array<i32: 0>} : vector<16xi32>
      %add3A_173 = vector.broadcast %add3A_171 : i32 to vector<16xi32>
      %add3A_174 = arith.addi %add3A_173, %iota3A_172 : vector<16xi32>
      %convert_element_type3A_175 = arith.sitofp %add3A_174 : vector<16xi32> to vector<16xf32>
      %mul3A_176 = arith.mulf %convert_element_type3A_175, %mul3A_138 : vector<16xf32>
      %min3A_177 = vector.broadcast %scan3A_139 : f32 to vector<16xf32>
      %min3A_178 = arith.minimumf %mul3A_176, %min3A_177 : vector<16xf32>
      %convert_element_type3A_179 = arith.fptosi %min3A_178 : vector<16xf32> to vector<16xi32>
      %swap3A_180 = arith.constant 16 : index
      %swap3A_181 = tpu.vector_load %arg6[%swap3A_180] {strides = array<i32>} : memref<32xi32, #tpu.memory_space<vmem>>, vector<16xi32>,
      %swap3A_182 = vector.shape_cast %swap3A_181 : vector<16xi32> to vector<16xi32>
      %swap3A_183 = vector.shape_cast %convert_element_type3A_179 : vector<16xi32> to vector<16xi32>
      tpu.vector_store %arg6[%swap3A_180], %swap3A_183 {strides = array<i32>} : memref<32xi32, #tpu.memory_space<vmem>>, vector<16xi32>,
      %add3A_184 = arith.constant 1 : i32
      %add3A_185 = vector.broadcast %add3A_184 : i32 to vector<16xi32>
      %add3A_186 = arith.addi %convert_element_type3A_179, %add3A_185 : vector<16xi32>
      %min3A_187 = arith.constant 8191 : i32
      %min3A_188 = vector.broadcast %min3A_187 : i32 to vector<16xi32>
      %min3A_189 = arith.minsi %add3A_186, %min3A_188 : vector<16xi32>
      %swap3A_190 = arith.constant 16 : index
      %swap3A_191 = tpu.vector_load %arg7[%swap3A_190] {strides = array<i32>} : memref<32xi32, #tpu.memory_space<vmem>>, vector<16xi32>,
      %swap3A_192 = vector.shape_cast %swap3A_191 : vector<16xi32> to vector<16xi32>
      %swap3A_193 = vector.shape_cast %min3A_189 : vector<16xi32> to vector<16xi32>
      tpu.vector_store %arg7[%swap3A_190], %swap3A_193 {strides = array<i32>} : memref<32xi32, #tpu.memory_space<vmem>>, vector<16xi32>,
      %dma_start3A = arith.constant 0 : i32
      %dma_start3A_194 = arith.constant 0 : i32
      %dma_start3A_195 = tpu.memref_slice %arg3[%dma_start3A, %dma_start3A_194] : memref<8192x1024xf32, #tpu.memory_space<hbm>> -> memref<8192x1024xf32, #tpu.memory_space<hbm>>
      tpu.enqueue_indirect_dma source(%dma_start3A_195 : memref<8192x1024xf32, #tpu.memory_space<hbm>>) target(%arg8 : memref<32x1024xf32, #tpu.memory_space<vmem>>) offsets(%arg6 : memref<32xi32, #tpu.memory_space<vmem>>) semaphore(%arg11 : memref<!tpu.dma_semaphore, #tpu.memory_space<semaphore_mem>>)
      %dma_wait3A = arith.constant 0 : i32
      %dma_wait3A_196 = arith.constant 0 : i32
      %dma_wait3A_197 = tpu.memref_slice %arg3[%dma_wait3A, %dma_wait3A_196] : memref<8192x1024xf32, #tpu.memory_space<hbm>> -> memref<8192x1024xf32, #tpu.memory_space<hbm>>
      tpu.wait_indirect_dma semaphore(%arg11 : memref<!tpu.dma_semaphore, #tpu.memory_space<semaphore_mem>>) src(%dma_wait3A_197 : memref<8192x1024xf32, #tpu.memory_space<hbm>>) dst(%arg8 : memref<32x1024xf32, #tpu.memory_space<vmem>>)
      %dma_start3A_198 = arith.constant 0 : i32
      %dma_start3A_199 = arith.constant 0 : i32
      %dma_start3A_200 = tpu.memref_slice %arg3[%dma_start3A_198, %dma_start3A_199] : memref<8192x1024xf32, #tpu.memory_space<hbm>> -> memref<8192x1024xf32, #tpu.memory_space<hbm>>
      tpu.enqueue_indirect_dma source(%dma_start3A_200 : memref<8192x1024xf32, #tpu.memory_space<hbm>>) target(%arg9 : memref<32x1024xf32, #tpu.memory_space<vmem>>) offsets(%arg7 : memref<32xi32, #tpu.memory_space<vmem>>) semaphore(%arg11 : memref<!tpu.dma_semaphore, #tpu.memory_space<semaphore_mem>>)
      %dma_wait3A_201 = arith.constant 0 : i32
      %dma_wait3A_202 = arith.constant 0 : i32
      %dma_wait3A_203 = tpu.memref_slice %arg3[%dma_wait3A_201, %dma_wait3A_202] : memref<8192x1024xf32, #tpu.memory_space<hbm>> -> memref<8192x1024xf32, #tpu.memory_space<hbm>>
      tpu.wait_indirect_dma semaphore(%arg11 : memref<!tpu.dma_semaphore, #tpu.memory_space<semaphore_mem>>) src(%dma_wait3A_203 : memref<8192x1024xf32, #tpu.memory_space<hbm>>) dst(%arg9 : memref<32x1024xf32, #tpu.memory_space<vmem>>)
      %scan3A_204 = arith.constant 0 : i32
      %scan3A_205 = arith.constant 0 : i32
      %scan3A_206 = arith.constant 32 : i32
      %scan3A_207 = arith.addi %scan3A_205, %scan3A_206 : i32
      %scan3A_208 = arith.constant 1 : i32
      scf.for %scan3A_210 = %scan3A_205 to %scan3A_207 step %scan3A_208  : i32 {
        %add3A_211 = arith.addi %multiple_of3A, %scan3A_210 : i32
        %convert_element_type3A_212 = arith.sitofp %add3A_211 : i32 to f32
        %broadcast_in_dim3A_213 = vector.broadcast %convert_element_type3A_212 : f32 to vector<16xf32>
        %mul3A_214 = arith.mulf %broadcast_in_dim3A_213, %mul3A_138 : vector<16xf32>
        %min3A_215 = vector.broadcast %scan3A_139 : f32 to vector<16xf32>
        %min3A_216 = arith.minimumf %mul3A_214, %min3A_215 : vector<16xf32>
        %convert_element_type3A_217 = arith.fptosi %min3A_216 : vector<16xf32> to vector<16xi32>
        %convert_element_type3A_218 = arith.sitofp %convert_element_type3A_217 : vector<16xi32> to vector<16xf32>
        %sub3A_219 = arith.subf %min3A_216, %convert_element_type3A_218 : vector<16xf32>
        %scan3A_220 = arith.constant 0 : i32
        %scan3A_221 = arith.constant 64 : i32
        %scan3A_222 = arith.addi %scan3A_220, %scan3A_221 : i32
        %scan3A_223 = arith.constant 1 : i32
        scf.for %scan3A_225 = %scan3A_220 to %scan3A_222 step %scan3A_223  : i32 {
          %mul3A_226 = arith.constant 16 : i32
          %mul3A_227 = arith.muli %scan3A_225, %mul3A_226 : i32
          %get3A_228 = arith.index_cast %scan3A_210 : i32 to index
          %get3A_229 = arith.index_cast %mul3A_227 : i32 to index
          %get3A_230 = tpu.vector_load %arg8[%get3A_228, %get3A_229] {strides = array<i32>} : memref<32x1024xf32, #tpu.memory_space<vmem>>, vector<1x16xf32>,
          %get3A_231 = vector.shape_cast %get3A_230 : vector<1x16xf32> to vector<16xf32>
          %get3A_232 = arith.index_cast %scan3A_210 : i32 to index
          %get3A_233 = arith.index_cast %mul3A_227 : i32 to index
          %get3A_234 = tpu.vector_load %arg9[%get3A_232, %get3A_233] {strides = array<i32>} : memref<32x1024xf32, #tpu.memory_space<vmem>>, vector<1x16xf32>,
          %get3A_235 = vector.shape_cast %get3A_234 : vector<1x16xf32> to vector<16xf32>
          %sub3A_236 = arith.subf %get3A_235, %get3A_231 : vector<16xf32>
          %mul3A_237 = arith.mulf %sub3A_219, %sub3A_236 : vector<16xf32>
          %add3A_238 = arith.addf %get3A_231, %mul3A_237 : vector<16xf32>
          %swap3A_239 = arith.index_cast %scan3A_210 : i32 to index
          %swap3A_240 = arith.index_cast %mul3A_227 : i32 to index
          %swap3A_241 = tpu.vector_load %arg10[%swap3A_239, %swap3A_240] {strides = array<i32>} : memref<32x1024xf32, #tpu.memory_space<vmem>>, vector<1x16xf32>,
          %swap3A_242 = vector.shape_cast %swap3A_241 : vector<1x16xf32> to vector<16xf32>
          %swap3A_243 = vector.shape_cast %add3A_238 : vector<16xf32> to vector<1x16xf32>
          tpu.vector_store %arg10[%swap3A_239, %swap3A_240], %swap3A_243 {strides = array<i32>} : memref<32x1024xf32, #tpu.memory_space<vmem>>, vector<1x16xf32>,
        }
        %scan3A_224 = arith.constant 64 : i32
      }
      %scan3A_209 = arith.constant 32 : i32
      "tpu.region"() ({
        %run_scoped3A = tpu.sem_alloc : memref<!tpu.dma_semaphore, #tpu.memory_space<semaphore_mem>>
        %dma_start3A_210 = arith.constant 0 : i32
        %dma_start3A_211 = tpu.memref_slice %arg4[%multiple_of3A, %dma_start3A_210] : memref<8192x1024xf32, #tpu.memory_space<hbm>> -> memref<32x1024xf32, #tpu.memory_space<hbm>>
        %dma_start3A_212 = arith.constant 0 : i32
        %dma_start3A_213 = tpu.memref_slice %arg4[%multiple_of3A, %dma_start3A_212] : memref<8192x1024xf32, #tpu.memory_space<hbm>> -> memref<32x1024xf32, #tpu.memory_space<hbm>>
        tpu.enqueue_dma source(%arg10 : memref<32x1024xf32, #tpu.memory_space<vmem>>) target(%dma_start3A_213 : memref<32x1024xf32, #tpu.memory_space<hbm>>) target_semaphore(%run_scoped3A : memref<!tpu.dma_semaphore, #tpu.memory_space<semaphore_mem>>)
        %dma_wait3A_214 = arith.constant 0 : i32
        %dma_wait3A_215 = tpu.memref_slice %arg4[%multiple_of3A, %dma_wait3A_214] : memref<8192x1024xf32, #tpu.memory_space<hbm>> -> memref<32x1024xf32, #tpu.memory_space<hbm>>
        %dma_wait3A_216 = arith.constant 0 : i32
        %dma_wait3A_217 = tpu.memref_slice %arg4[%multiple_of3A, %dma_wait3A_216] : memref<8192x1024xf32, #tpu.memory_space<hbm>> -> memref<32x1024xf32, #tpu.memory_space<hbm>>
        tpu.wait_dma2 semaphore(%run_scoped3A : memref<!tpu.dma_semaphore, #tpu.memory_space<semaphore_mem>>) src(%arg10 : memref<32x1024xf32, #tpu.memory_space<vmem>>) dst(%dma_wait3A_217 : memref<32x1024xf32, #tpu.memory_space<hbm>>)
        tpu.yield
      }) : () -> ()
    }
    %scan3A_144 = arith.constant 8 : i32
    return
  }
}

module attributes {stable_mosaic.version = 14 : i64} {
  func.func @_tc_add(%arg0: i32, %arg1: memref<4x256x1024xf32, #tpu.memory_space<vmem>>, %arg2: memref<256x1024xf32, #tpu.memory_space<vmem>>, %arg3: memref<4x256x1024xf32, #tpu.memory_space<vmem>>) attributes {dimension_semantics = [#tpu.dimension_semantics<arbitrary>], iteration_bounds = array<i64: 32>, scalar_prefetch = 0 : i64, scratch_operands = 0 : i64, tpu.core_type = #tpu.core_type<tc>, window_params = [{transform_indices = @transform_0, window_bounds = array<i64: 4, 256, 1024>}, {transform_indices = @transform_1, window_bounds = array<i64: 256, 1024>}, {transform_indices = @transform_2, window_bounds = array<i64: 4, 256, 1024>}]} {
    %get3A = arith.constant 0 : index
    %get3A_0 = arith.constant 0 : index
    %get3A_1 = arith.constant 0 : index
    %get3A_2 = vector.load %arg1[%get3A, %get3A_0, %get3A_1] : memref<4x256x1024xf32, #tpu.memory_space<vmem>>, vector<4x256x1024xf32>
    %get3A_3 = arith.constant 0 : index
    %get3A_4 = arith.constant 0 : index
    %get3A_5 = vector.load %arg2[%get3A_3, %get3A_4] : memref<256x1024xf32, #tpu.memory_space<vmem>>, vector<256x1024xf32>
    %broadcast_in_dim3A = vector.shape_cast %get3A_5 : vector<256x1024xf32> to vector<1x256x1024xf32>
    %add3A = vector.broadcast %broadcast_in_dim3A : vector<1x256x1024xf32> to vector<4x256x1024xf32>
    %add3A_6 = arith.addf %get3A_2, %add3A : vector<4x256x1024xf32>
    %swap3A = arith.constant 0 : index
    %swap3A_7 = arith.constant 0 : index
    %swap3A_8 = arith.constant 0 : index
    %swap3A_9 = vector.load %arg3[%swap3A, %swap3A_7, %swap3A_8] : memref<4x256x1024xf32, #tpu.memory_space<vmem>>, vector<4x256x1024xf32>
    tpu.vector_store %arg3[%swap3A, %swap3A_7, %swap3A_8], %add3A_6 {strides = array<i32>} : memref<4x256x1024xf32, #tpu.memory_space<vmem>>, vector<4x256x1024xf32>,
    return
  }
  func.func @transform_0(%arg0: i32) -> (i32, i32, i32) {
    %c0_i32 = arith.constant 0 : i32
    %c0_i32_0 = arith.constant 0 : i32
    %c0_i32_1 = arith.constant 0 : i32
    return %c0_i32, %arg0, %c0_i32_0 : i32, i32, i32
  }
  func.func @transform_1(%arg0: i32) -> (i32, i32) {
    %c0_i32 = arith.constant 0 : i32
    %c0_i32_0 = arith.constant 0 : i32
    return %arg0, %c0_i32 : i32, i32
  }
  func.func @transform_2(%arg0: i32) -> (i32, i32, i32) {
    %c0_i32 = arith.constant 0 : i32
    %c0_i32_0 = arith.constant 0 : i32
    %c0_i32_1 = arith.constant 0 : i32
    return %c0_i32, %arg0, %c0_i32_0 : i32, i32, i32
  }
}

</mosaic_0001>

<sc_bundles>
// kernel: kernel.4.cloned.1.call-start
scs
__scs_entry_jumppad:
0x0: {  	(pc) =	sbr.rel $0x88, $3  }
0x1: {  	(tag) =	ssettag $0x0;
	lr =	simm.s32 $0x1  }
0x2: {  	[smem:$0x3F9E] =	sst lr;
	_ =	strace $0xD0000000  }
0x3: {  	_ = 	snop  }
0x4: {  	_ = 	snop  }
0x5: {  	_ = 	snop  }
0x6: {  	_ = 	snop  }
0x7: {  	_ = 	snop  }
__scs_overlays_trampoline_lowered:
0x8: {  	[smem:$0x3FAD] =	sst s0  }
0x9: {  	[smem:$0x3FAE] =	sst s1  }
0xa: {  	[smem:$0x3FAF] =	sst s2  }
0xb: {  	[smem:$0x3FB0] =	sst s3  }
0xc: {  	[smem:$0x3FB1] =	sst s4  }
0xd: {  	[smem:$0x3FB2] =	sst s5  }
0xe: {  	[smem:$0x3FB3] =	sst s6  }
0xf: {  	[smem:$0x3FB4] =	sst s7  }
0x10: {  	[smem:$0x3FB5] =	sst s8  }
0x11: {  	[smem:$0x3FB6] =	sst s9;
	s0 =	simm.s32 @!p0 $0x0  }
0x12: {  	s1 =	sld [smem:$0x3F9C];
	s0 =	simm.s32 @p0 $0x1  }
0x13: {  	[smem:$0x3FB7] =	sst s0;
	s0 =	simm.s32 @!p1 $0x0  }
0x14: {  	s2 =	sld [smem:$0x3F9B];
	s0 =	simm.s32 @p1 $0x1  }
0x15: {  	[smem:$0x3FB8] =	sst s0;
	s0 =	simm.s32 @!p2 $0x0  }
0x16: {  	s3 =	sld [smem:$0x3FDB];
	s0 =	simm.s32 @p2 $0x1  }
0x17: {  	s4 =	simm.s32 $0x1BF5;
	[smem:$0x3FBA] =	sst s0  }
0x18: {  	s0 =	sld [smem:$0x3F9D];
	_ =	swait.ge [sflag:s4], $0x0  }
0x19: {  	s7 =	sld [smem:$0x3F9E]  }
0x1a: {  	s8 =	sadd.s32 $0xFFFFE003, lr  }
0x1b: {  	s9 =	sadd.s32 $0xFFFFFEF7, lr;
	s5 =	simm.s32 $0xFFFFFFFF;
	p2 =	slt.u32 s8, $0xFFFFF086  }
0x1c: {  	p1 =	slt.u32 s9, $0xF7A;
	s5 =	simm.s32 @!p2 $0x0  }
0x1d: {  	s5 =	simm.s32 @p1 $0x1;
	p0 =	seq.s32 s7, s2  }
0x1e: {  	s7 =	smul.u32 @!p0 $0xF7A, s2;
	p2 =	seq.s32 @!p0 s5, $0x0  }
0x1f: {  	s9 =	smul.u32 $0xF7A, s1;
	s8 =	simm.s32 @!p0 $0x1BF5;
	p2 =	por !p2, p0  }
0x20: {  	[sflag:s8] =	ssyncset.s32 @!p0 $0xFFFFF086;
	s6 =	sadd.s32 @!p0 s3, s7;
	s7 =	simm.s32 @!p0 $0x108  }
0x21: {  	s3 =	sadd.s32 s3, s9;
	s6 =	sadd.s32 @!p0 $0x88, s6;
	s7 =	simm.s32 @p2 $0x1082  }
0x22: {  	[simem:s7], [sflag:s8] =	dma.local @!p0 [hbm:s6], $0xF7A  }
0x23: {  	s9 =	sor.u32 $0xD0000000, s2;
	s6 =	simm.s32 $0x108;
	_ =	swait.ge @!p0 [sflag:s8], $0x0  }
0x24: {  	s3 =	sadd.s32 $0x88, s3;
	s6 =	simm.s32 @!p1 $0x1082;
	[sflag:s4] =	ssyncset.s32 $0xFFFFF086  }
0x25: {  	[simem:s6], [sflag:s4] =	dma.local [hbm:s3], $0xF7A  }
0x26: {  	[smem:$0x3F9E] =	sst s1;
	(tag) =	ssettag s2;
	_ =	strace s9  }
0x27: {  	s1 =	sld [smem:$0x3FAE]  }
0x28: {  	s2 =	sld [smem:$0x3FAF]  }
0x29: {  	s4 =	sld [smem:$0x3FB1]  }
0x2a: {  	p0 =	seq.s32 s5, $0x0;
	s5 =	sld [smem:$0x3FB2]  }
0x2b: {  	s6 =	sld [smem:$0x3FB3]  }
0x2c: {  	s7 =	sld [smem:$0x3FB4]  }
0x2d: {  	s3 =	simm.s32 $0x108;
	s8 =	sld [smem:$0x3FB5]  }
0x2e: {  	s3 =	simm.s32 @!p0 $0x1082;
	s9 =	sld [smem:$0x3FB6]  }
0x2f: {  	lr =	sadd.s32 s0, s3;
	s0 =	sld [smem:$0x3FAD]  }
0x30: {  	s3 =	sld [smem:$0x3FB0]  }
0x31: {  	[smem:$0x3FB9] =	sst s10  }
0x32: {  	s10 =	sld [smem:$0x3FB7];
	_ =	sdelay $0x3  }
0x33: {  	p0 =	seq.s32 s10, $0x1;
	s10 =	sld [smem:$0x3FB9];
	_ =	sdelay $0x3  }
0x34: {  	[smem:$0x3FB9] =	sst s10  }
0x35: {  	s10 =	sld [smem:$0x3FB8];
	_ =	sdelay $0x3  }
0x36: {  	p1 =	seq.s32 s10, $0x1;
	s10 =	sld [smem:$0x3FB9];
	_ =	sdelay $0x3  }
0x37: {  	[smem:$0x3FB9] =	sst s10  }
0x38: {  	s10 =	sld [smem:$0x3FBA]  }
0x39: {  	_ = 	snop;
	(pc) =	sbr.ind lr, $3  }
0x3a: {  	_ = 	snop  }
0x3b: {  	_ = 	snop  }
0x3c: {  	p2 =	seq.s32 s10, $0x1;
	s10 =	sld [smem:$0x3FB9]  }
0x3d: {  	_ =	shalt  }
0x3e: {  	_ =	shalt  }
0x3f: {  	_ =	shalt  }
0x40: {  	_ =	shalt  }
0x41: {  	_ =	shalt  }
0x42: {  	_ =	shalt  }
0x43: {  	_ =	shalt  }
0x44: {  	_ =	shalt  }
0x45: {  	_ =	shalt  }
0x46: {  	_ =	shalt  }
0x47: {  	_ =	shalt  }
0x48: {  	_ =	shalt  }
0x49: {  	_ =	shalt  }
0x4a: {  	_ =	shalt  }
0x4b: {  	_ =	shalt  }
0x4c: {  	_ =	shalt  }
0x4d: {  	_ =	shalt  }
0x4e: {  	_ =	shalt  }
0x4f: {  	_ =	shalt  }
0x50: {  	_ =	shalt  }
0x51: {  	_ =	shalt  }
0x52: {  	_ =	shalt  }
0x53: {  	_ =	shalt  }
0x54: {  	_ =	shalt  }
0x55: {  	_ =	shalt  }
0x56: {  	_ =	shalt  }
0x57: {  	_ =	shalt  }
0x58: {  	_ =	shalt  }
0x59: {  	_ =	shalt  }
0x5a: {  	_ =	shalt  }
0x5b: {  	_ =	shalt  }
0x5c: {  	_ =	shalt  }
0x5d: {  	_ =	shalt  }
0x5e: {  	_ =	shalt  }
0x5f: {  	_ =	shalt  }
0x60: {  	_ =	shalt  }
0x61: {  	_ =	shalt  }
0x62: {  	_ =	shalt  }
0x63: {  	_ =	shalt  }
0x64: {  	_ =	shalt  }
0x65: {  	_ =	shalt  }
0x66: {  	_ =	shalt  }
0x67: {  	_ =	shalt  }
0x68: {  	_ =	shalt  }
0x69: {  	_ =	shalt  }
0x6a: {  	_ =	shalt  }
0x6b: {  	_ =	shalt  }
0x6c: {  	_ =	shalt  }
0x6d: {  	_ =	shalt  }
0x6e: {  	_ =	shalt  }
0x6f: {  	_ =	shalt  }
0x70: {  	_ =	shalt  }
0x71: {  	_ =	shalt  }
0x72: {  	_ =	shalt  }
0x73: {  	_ =	shalt  }
0x74: {  	_ =	shalt  }
0x75: {  	_ =	shalt  }
0x76: {  	_ =	shalt  }
0x77: {  	_ =	shalt  }
0x78: {  	_ =	shalt  }
0x79: {  	_ =	shalt  }
0x7a: {  	_ =	shalt  }
0x7b: {  	_ =	shalt  }
0x7c: {  	_ =	shalt  }
0x7d: {  	_ =	shalt  }
0x7e: {  	_ =	shalt  }
0x7f: {  	_ =	shalt  }
0x80: {  	_ =	shalt  }
0x81: {  	_ =	shalt  }
0x82: {  	_ =	shalt  }
0x83: {  	_ =	shalt  }
0x84: {  	_ =	shalt  }
0x85: {  	_ =	shalt  }
0x86: {  	_ =	shalt  }
0x87: {  	_ =	shalt  }
.Lfunc_end0:
.L_simem_size_0:
called_computation_lowered:
.L_overlay_start_0:
0x88: {  	s2 =	sld [smem:$0x3FD9]  }
0x89: {  	s3 =	sld [smem:$0x3FFE];
	_ =	sdelay $0x1  }
0x8a: {  	s1 =	srdreg.scid  }
0x8b: {  	s0 =	sand.u32 $0x1, s1  }
0x8c: {  	s17 =	sshll.u32 s0, $0xA;
	s2 =	sadd.s32 s3, s2  }
0x8d: {  	s2 =	sadd.s32 s2, s17  }
0x8e: {  	[smem:$0x3FC5] =	sst s2  }
0x8f: {  	_ = 	snop  }
0x90: {  	s2 =	sld [smem:$0x3FC7];
	(tm) =	ssettm $0x1  }
0x91: {  	s18 =	sld [smem:$0x3FFB];
	_ =	sdelay $0x3  }
0x92: {  	_ =	strace s18  }
0x93: {  	s3 =	sld [smem:$0x3FFC];
	_ =	sdelay $0x3  }
0x94: {  	_ =	strace s3  }
0x95: {  	s3 =	sld [smem:$0x3FFD];
	_ =	sdelay $0x3  }
0x96: {  	_ =	strace s3  }
0x97: {  	_ =	strace $0x8FFFFFFF  }
0x98: {  	s19 =	sld [smem:$0x3FDB];
	_ =	sdelay $0x1  }
0x99: {  	s4 =	simm.s32 $_scs_section_size  }
0x9a: {  	s5 =	simm.s32 $_size__tile_overlayer_lowered;
	s6 =	simm.s32 $_tile_overlayer_lowered  }
0x9b: {  	s22 =	simm.s32 $0x1BFF;
	s21 =	sshll.u32 s6, $0x1;
	s3 =	sadd.s32 s4, s19  }
0x9c: {  	s7 =	simm.s32 $0x0;
	s20 =	sshll.u32 s5, $0x1;
	s5 =	sadd.s32 s21, s3  }
0x9d: {  	[timem:s7], [sflag:s22] =	dma.local [hbm:s5], s20  }
0x9e: {  	_ =	swait.ge [sflag:s22], s20  }
0x9f: {  	s4 =	ssub.s32 $0x0, s20;
	[sflag:s22] =	ssyncset.done $0x0  }
0xa0: {  	[sflag:s22] =	ssyncadd.s32 s4;
	_ =	sdelay $0x1  }
0xa1: {  	s23 =	simm.s32 $0x1B8B  }
0xa2: {  	_ =	swait.ge [sflag:s23], $0x1  }
0xa3: {  	[sflag:s23] =	ssyncset.done $0x0  }
0xa4: {  	s25 =	simm.s32 $0x1B8E;
	s24 =	sld [smem:$0x3FFE];
	[sflag:s23] =	ssyncadd.s32 $0xFFFFFFFF  }
0xa5: {  	s26 =	simm.s32 $execute0_lowered;
	[smem:$0x3FD2] =	sst s25  }
0xa6: {  	s5 =	sshll.u32 s26, $0x1;
	_ =	strace $0x80000046;
	[dreg:$0x1] =	wrdreg $0xFFFFFFFF  }
0xa7: {  	s28 =	simm.s32 $_size_execute0_lowered;
	s3 =	sadd.s32 s3, s5;
	[dreg:$0x0] =	wrdreg $0x0  }
0xa8: {  	s5 =	sshll.u32 s28, $0x1;
	[dreg:$0x2] =	wrdreg s3  }
0xa9: {  	[dreg:$0x3] =	wrdreg s5  }
0xaa: {  	[dreg:$0x4] =	wrdreg $0xC0  }
0xab: {  	_ =	task [dreg:s7], $0x5FFFF  }
0xac: {  	[dreg:$0x1] =	wrdreg $0xFFFFFFFF  }
0xad: {  	[dreg:$0x0] =	wrdreg $0x60  }
0xae: {  	[dreg:$0x2] =	wrdreg s24  }
0xaf: {  	[dreg:$0x3] =	wrdreg s2  }
0xb0: {  	[dreg:$0x4] =	wrdreg $0x9  }
0xb1: {  	_ =	task.clear_ibuf [dreg:s7], $0x5FFFF;
	_ =	strace $0x90000046  }
0xb2: {  	s29 =	simm.s32 $0x9;
	_ =	strace $0x80000048  }
0xb3: {  	_ =	swait.ge [sflag:s29], $0x1  }
0xb4: {  	[sflag:s29] =	ssyncadd.s32 $0xFFFFFFFF  }
0xb5: {  	_ =	strace $0x90000048  }
0xb6: {  	_ =	sfence  }
0xb7: {  	s30 =	sld [smem:$0x0];
	_ =	sdelay $0x2  }
0xb8: {  	s31 =	sshll.u32 s1, $0xD;
	s1 =	sshrl.u32 s1, $0x2  }
0xb9: {  	s3 =	sand.u32 $0x4000, s31;
	s1 =	sadd.s32 s1, s30  }
0xba: {  	s0 =	sor.u32 s3, s0;
	s1 =	sshll.u32 s1, $0x11  }
0xbb: {  	s0 =	sor.u32 s1, s0  }
0xbc: {  	s0 =	sadd.s32 $0x8F2B, s0  }
0xbd: {  	[sflag:s0] =	ssyncadd.remote.s32 $0x1  }
0xbe: {  	_ =	sfence.sel $0xFFFF  }
0xbf: {  	[dreg:$0x0] =	wrdreg $0xFFFFFFFF;
	(pc) =	sbr.abs _section_cstart, $3  }
0xc0: {  	[dreg:$0x1] =	wrdreg $0xFFFFFFFF  }
0xc1: {  	_ =	task.clear_ibuf [dreg:s7], $0x2FFFF;
	_ =	strace $0x9FFFFFFF  }
0xc2: {  	(tm) =	ssettm $0x7FFFFFFF  }
0xc3: {  	_ =	shalt  }
tec
execute0_lowered:
.L_overlay_start_1:
0x0: {  	(tag) =	ssettag $0x1  }
0x1: {  	s0 =	rddreg [dreg:$0x0]  }
0x2: {  	s1 =	rddreg [dreg:$0x1]  }
0x3: {  	s2 =	simm.s32 $0x0;
	s28 =	srdreg.scid;
	s4 =	stileid.u32  }
0x4: {  	s11 =	simm.s32 $0x2;
	s29 =	simm.s32 $0x1;
	s10 =	simm.s32 $0xA980  }
0x5: {  	s12 =	simm.s32 $0xB980;
	s13 =	simm.s32 $0xC180;
	s14 =	simm.s32 $0xC980  }
0x6: {  	s15 =	simm.s32 $0xD180;
	s16 =	simm.s32 $0xD980;
	s17 =	simm.s32 $0xE180  }
0x7: {  	s18 =	simm.s32 $0xE980;
	s19 =	simm.s32 $0xF180;
	s20 =	simm.s32 $0xF980  }
0x8: {  	s21 =	simm.s32 $0x10180;
	s24 =	simm.s32 $0x0;
	[smem:$0x7FF] =	sst s2  }
0x9: {  	s3 =	sadd.s32 $0x400, s0;
	s2 =	sand.u32 $0x1, s28;
	s5 =	sadd.s32 $0x600, s0  }
0xa: {  	s4 =	sshll.u32 s4, $0x9;
	s7 =	sadd.s32 $0x100, s1;
	s30 =	ssub.s32 $0x2, s2  }
0xb: {  	s8 =	sadd.s32 $0x200, s1;
	s9 =	sadd.s32 $0x300, s1;
	s31 =	sshrl.u32 s30, $0x1  }
0xc: {  	v0 =	vlaneseq.u32;
	_ =	strace $0x80000047;
	[dreg:$0x3] =	wrdreg s3;
	s0 =	ssub.s32 s30, s31  }
0xd: {  	vm0 =	vmmov $0xffff;
	v2 =	vshrl.u32 v0, $0x3;
	s2 =	sshll.u32 s2, $0x8;
	s3 =	simm.s32 $0x0;
	s0 =	smax.u32 s0, $0x1  }
0xe: {  	v1 =	vand.u32 $0x7, v0;
	v3 =	vor.u32 $0x8, v0;
	v2 =	vmul.u32 $0x8, v2;
	s6 =	sor.u32 s2, s4;
	s2 =	simm.s32 $0xB180;
	[dreg:$0x4] =	wrdreg s0  }
.LBB2_1:
0xf: {  	[dreg:$0x5] =	wrdreg s3  }
0x10: {  	s0 =	simm.s32 $0x0;
	s31 =	rddreg [dreg:$0x3]  }
0x11: {  	[tilespmem:s0], [sflag:$0x2] =	stream.linear.gather [hbm4b:s31+s0], $0x80, $0x38;
	[tilespmem:$0x18180] =	vst v63  }
0x12: {  	_ =	swait.ge [sflag:s11], $0x80  }
0x13: {  	[sflag:s11] =	ssyncset.done $0x0  }
0x14: {  	[sflag:s11] =	ssyncadd.s32 $0xFFFFFF80  }
0x15: {  	v4 =	vld [tilespmem:$0x0];
	_ =	sdelay $0x4  }
0x16: {  	v4 =	vmax.f32 v4, $0.0e+00  }
0x17: {  	v4 =	vmin.f32 v4, $9.990000120e-01  }
0x18: {  	v4 =	vmul.f32 v4, v4;
	_ =	sdelay $0x1  }
0x19: {  	v4 =	vsub.f32 $1.000000000e+00, v4;
	_ =	sdelay $0x1  }
0x1a: {  	v5 =	vmul.f32 $5.000000000e-01, v4;
	_ =	sdelay $0x1  }
0x1b: {  	v6 =	vsub.f32 $1.500000000e+00, v5;
	_ =	sdelay $0x1  }
0x1c: {  	v7 =	vmul.f32 v6, v5;
	_ =	sdelay $0x1  }
0x1d: {  	v7 =	vmul.f32 v7, v6;
	_ =	sdelay $0x1  }
0x1e: {  	v7 =	vsub.f32 $1.500000000e+00, v7;
	_ =	sdelay $0x1  }
0x1f: {  	v6 =	vmul.f32 v7, v6;
	_ =	sdelay $0x1  }
0x20: {  	v7 =	vmul.f32 v6, v5;
	_ =	sdelay $0x1  }
0x21: {  	v7 =	vmul.f32 v7, v6;
	_ =	sdelay $0x1  }
0x22: {  	v7 =	vsub.f32 $1.500000000e+00, v7;
	_ =	sdelay $0x1  }
0x23: {  	v6 =	vmul.f32 v7, v6;
	_ =	sdelay $0x1  }
0x24: {  	v7 =	vmul.f32 v6, v5;
	_ =	sdelay $0x1  }
0x25: {  	v7 =	vmul.f32 v7, v6;
	_ =	sdelay $0x1  }
0x26: {  	v7 =	vsub.f32 $1.500000000e+00, v7;
	_ =	sdelay $0x1  }
0x27: {  	v6 =	vmul.f32 v7, v6;
	_ =	sdelay $0x1  }
0x28: {  	v7 =	vmul.f32 v6, v5;
	_ =	sdelay $0x1  }
0x29: {  	v7 =	vmul.f32 v7, v6;
	_ =	sdelay $0x1  }
0x2a: {  	v7 =	vsub.f32 $1.500000000e+00, v7;
	_ =	sdelay $0x1  }
0x2b: {  	v6 =	vmul.f32 v7, v6;
	_ =	sdelay $0x1  }
0x2c: {  	v7 =	vmul.f32 v6, v5;
	_ =	sdelay $0x1  }
0x2d: {  	v7 =	vmul.f32 v7, v6;
	_ =	sdelay $0x1  }
0x2e: {  	v7 =	vsub.f32 $1.500000000e+00, v7;
	_ =	sdelay $0x1  }
0x2f: {  	v6 =	vmul.f32 v7, v6;
	_ =	sdelay $0x1  }
0x30: {  	v7 =	vmul.f32 v6, v5;
	_ =	sdelay $0x1  }
0x31: {  	v7 =	vmul.f32 v7, v6;
	_ =	sdelay $0x1  }
0x32: {  	v7 =	vsub.f32 $1.500000000e+00, v7;
	_ =	sdelay $0x1  }
0x33: {  	v6 =	vmul.f32 v7, v6;
	_ =	sdelay $0x1  }
0x34: {  	v7 =	vmul.f32 v6, v5;
	_ =	sdelay $0x1  }
0x35: {  	v7 =	vmul.f32 v7, v6;
	_ =	sdelay $0x1  }
0x36: {  	v7 =	vsub.f32 $1.500000000e+00, v7;
	_ =	sdelay $0x1  }
0x37: {  	v6 =	vmul.f32 v7, v6;
	_ =	sdelay $0x1  }
0x38: {  	v7 =	vmul.f32 v6, v5;
	_ =	sdelay $0x1  }
0x39: {  	v7 =	vmul.f32 v7, v6;
	_ =	sdelay $0x1  }
0x3a: {  	v7 =	vsub.f32 $1.500000000e+00, v7;
	_ =	sdelay $0x1  }
0x3b: {  	v6 =	vmul.f32 v7, v6;
	_ =	sdelay $0x1  }
0x3c: {  	v7 =	vmul.f32 v6, v5;
	_ =	sdelay $0x1  }
0x3d: {  	v7 =	vmul.f32 v7, v6;
	_ =	sdelay $0x1  }
0x3e: {  	v7 =	vsub.f32 $1.500000000e+00, v7;
	_ =	sdelay $0x1  }
0x3f: {  	v6 =	vmul.f32 v7, v6;
	_ =	sdelay $0x1  }
0x40: {  	v7 =	vmul.f32 v6, v5;
	_ =	sdelay $0x1  }
0x41: {  	v7 =	vmul.f32 v7, v6;
	_ =	sdelay $0x1  }
0x42: {  	v7 =	vsub.f32 $1.500000000e+00, v7;
	_ =	sdelay $0x1  }
0x43: {  	v6 =	vmul.f32 v7, v6;
	_ =	sdelay $0x1  }
0x44: {  	v7 =	vmul.f32 v6, v5;
	_ =	sdelay $0x1  }
0x45: {  	v7 =	vmul.f32 v7, v6;
	_ =	sdelay $0x1  }
0x46: {  	v7 =	vsub.f32 $1.500000000e+00, v7;
	_ =	sdelay $0x1  }
0x47: {  	v6 =	vmul.f32 v7, v6;
	_ =	sdelay $0x1  }
0x48: {  	v7 =	vmul.f32 v6, v5;
	_ =	sdelay $0x1  }
0x49: {  	v7 =	vmul.f32 v7, v6;
	_ =	sdelay $0x1  }
0x4a: {  	v7 =	vsub.f32 $1.500000000e+00, v7;
	_ =	sdelay $0x1  }
0x4b: {  	v6 =	vmul.f32 v7, v6;
	_ =	sdelay $0x1  }
0x4c: {  	v5 =	vmul.f32 v6, v5;
	_ =	sdelay $0x1  }
0x4d: {  	v5 =	vmul.f32 v5, v6;
	_ =	sdelay $0x1  }
0x4e: {  	v5 =	vsub.f32 $1.500000000e+00, v5;
	_ =	sdelay $0x1  }
0x4f: {  	v5 =	vmul.f32 v5, v6;
	_ =	sdelay $0x1  }
0x50: {  	s22 =	simm.s32 $0x0;
	v4 =	vmul.f32 v5, v4  }
.LBB2_2:
0x51: {  	s0 =	sshll.u32 s22, $0x5  }
0x52: {  	s23 =	sadd.s32 s6, s0  }
0x53: {  	v5 =	vor.u32 s23, v0  }
0x54: {  	v5 =	vcvt.s32.f32 v5;
	_ =	sdelay $0x1  }
0x55: {  	v5 =	vmul.f32 v5, v4;
	_ =	sdelay $0x1  }
0x56: {  	v5 =	vmin.f32 v5, $8.191000000e+03  }
0x57: {  	v5 =	vtrunc.f32 v5  }
0x58: {  	v5 =	vcvt.f32.s32 v5;
	_ =	sdelay $0x1  }
0x59: {  	[tilespmem:$0x80] =	vst v5  }
0x5a: {  	v6 =	vld [tilespmem:$0x80]  }
0x5b: {  	s0 =	sor.u32 $0x10, s23  }
0x5c: {  	v7 =	vor.u32 s0, v0  }
0x5d: {  	v7 =	vcvt.s32.f32 v7;
	_ =	sdelay $0x1  }
0x5e: {  	v7 =	vmul.f32 v7, v4;
	v8 =	vshll.u32 v6, $0x3  }
0x5f: {  	v6 =	vand.u32 $0x7, v6;
	v8 =	vand.u32 $0xFFFFFFC0, v8  }
0x60: {  	v7 =	vmin.f32 v7, $8.191000000e+03;
	v6 =	vor.u32 v6, v8  }
0x61: {  	v7 =	vtrunc.f32 v7;
	v8 =	vperm.xlane v6, v1  }
0x62: {  	v7 =	vcvt.f32.s32 v7  }
0x63: {  	v5 =	vadd.s32 $0x1, v5;
	v8 =	vadd.s32 v2, v8  }
0x64: {  	vm1 =	vlt.s32 v5, $0x1FFF;
	v9 =	vadd.s32 $0x1, v7  }
0x65: {  	[tilespmem:$0x90] =	vst v7;
	v5 =	vnsel vm1, $0x1FFF, v5;
	vm1 =	vlt.s32 v9, $0x1FFF  }
0x66: {  	[tilespmem:$0x100] =	vst v5;
	v5 =	vnsel vm1, $0x1FFF, v9  }
0x67: {  	s3 =	simm.s32 $0x180;
	[tilespmem:$0x110] =	vst v5  }
0x68: {  	[tilespmem:s3], [sflag:$0x1] =	stream.indirect_vreg.gather [hbm4b:s1+s24], $0x80, v8, vm0, $0xb8;
	[tilespmem:$0x18180] =	vst v63  }
0x69: {  	s4 =	simm.s32 $0x980;
	v5 =	vperm.xlane v6, v3  }
0x6a: {  	[tilespmem:s4], [sflag:$0x1] =	stream.indirect_vreg.gather [hbm4b:s7+s24], $0x80, v8, vm0, $0xb8;
	[tilespmem:$0x18180] =	vst v63  }
0x6b: {  	s25 =	simm.s32 $0x1180;
	v5 =	vadd.s32 v2, v5  }
0x6c: {  	[tilespmem:s25], [sflag:$0x1] =	stream.indirect_vreg.gather [hbm4b:s8+s24], $0x80, v8, vm0, $0xb8;
	[tilespmem:$0x18180] =	vst v63  }
0x6d: {  	s26 =	simm.s32 $0x1980  }
0x6e: {  	[tilespmem:s26], [sflag:$0x1] =	stream.indirect_vreg.gather [hbm4b:s9+s24], $0x80, v8, vm0, $0xb8;
	[tilespmem:$0x18180] =	vst v63  }
0x6f: {  	s28 =	simm.s32 $0x2180  }
0x70: {  	[tilespmem:s28], [sflag:$0x1] =	stream.indirect_vreg.gather [hbm4b:s1+s24], $0x80, v5, vm0, $0xb8;
	[tilespmem:$0x18180] =	vst v63  }
0x71: {  	s30 =	simm.s32 $0x2980  }
0x72: {  	[tilespmem:s30], [sflag:$0x1] =	stream.indirect_vreg.gather [hbm4b:s7+s24], $0x80, v5, vm0, $0xb8;
	[tilespmem:$0x18180] =	vst v63  }
0x73: {  	s31 =	simm.s32 $0x3180  }
0x74: {  	[tilespmem:s31], [sflag:$0x1] =	stream.indirect_vreg.gather [hbm4b:s8+s24], $0x80, v5, vm0, $0xb8;
	[tilespmem:$0x18180] =	vst v63  }
0x75: {  	s3 =	simm.s32 $0x3980  }
0x76: {  	[tilespmem:s3], [sflag:$0x1] =	stream.indirect_vreg.gather [hbm4b:s9+s24], $0x80, v5, vm0, $0xb8;
	[tilespmem:$0x18180] =	vst v63  }
0x77: {  	v5 =	vld [tilespmem:$0x90];
	_ =	sdelay $0x4  }
0x78: {  	v6 =	vshll.u32 v5, $0x3  }
0x79: {  	v5 =	vand.u32 $0x7, v5;
	v6 =	vand.u32 $0xFFFFFFC0, v6  }
0x7a: {  	v5 =	vor.u32 v5, v6  }
0x7b: {  	v6 =	vperm.xlane v5, v1;
	_ =	sdelay $0x1  }
0x7c: {  	v6 =	vadd.s32 v2, v6;
	_ =	sdelay $0x3  }
0x7d: {  	s4 =	simm.s32 $0x4180  }
0x7e: {  	[tilespmem:s4], [sflag:$0x1] =	stream.indirect_vreg.gather [hbm4b:s1+s24], $0x80, v6, vm0, $0xb8;
	[tilespmem:$0x18180] =	vst v63  }
0x7f: {  	s25 =	simm.s32 $0x4980;
	v5 =	vperm.xlane v5, v3  }
0x80: {  	[tilespmem:s25], [sflag:$0x1] =	stream.indirect_vreg.gather [hbm4b:s7+s24], $0x80, v6, vm0, $0xb8;
	[tilespmem:$0x18180] =	vst v63  }
0x81: {  	s26 =	simm.s32 $0x5180;
	v5 =	vadd.s32 v2, v5  }
0x82: {  	[tilespmem:s26], [sflag:$0x1] =	stream.indirect_vreg.gather [hbm4b:s8+s24], $0x80, v6, vm0, $0xb8;
	[tilespmem:$0x18180] =	vst v63  }
0x83: {  	s28 =	simm.s32 $0x5980  }
0x84: {  	[tilespmem:s28], [sflag:$0x1] =	stream.indirect_vreg.gather [hbm4b:s9+s24], $0x80, v6, vm0, $0xb8;
	[tilespmem:$0x18180] =	vst v63  }
0x85: {  	s30 =	simm.s32 $0x6180  }
0x86: {  	[tilespmem:s30], [sflag:$0x1] =	stream.indirect_vreg.gather [hbm4b:s1+s24], $0x80, v5, vm0, $0xb8;
	[tilespmem:$0x18180] =	vst v63  }
0x87: {  	s31 =	simm.s32 $0x6980  }
0x88: {  	[tilespmem:s31], [sflag:$0x1] =	stream.indirect_vreg.gather [hbm4b:s7+s24], $0x80, v5, vm0, $0xb8;
	[tilespmem:$0x18180] =	vst v63  }
0x89: {  	s3 =	simm.s32 $0x7180  }
0x8a: {  	[tilespmem:s3], [sflag:$0x1] =	stream.indirect_vreg.gather [hbm4b:s8+s24], $0x80, v5, vm0, $0xb8;
	[tilespmem:$0x18180] =	vst v63  }
0x8b: {  	s4 =	simm.s32 $0x7980  }
0x8c: {  	[tilespmem:s4], [sflag:$0x1] =	stream.indirect_vreg.gather [hbm4b:s9+s24], $0x80, v5, vm0, $0xb8;
	[tilespmem:$0x18180] =	vst v63  }
0x8d: {  	_ =	swait.ge [sflag:s29], $0x8000  }
0x8e: {  	[sflag:s29] =	ssyncset.done $0x0  }
0x8f: {  	[sflag:s29] =	ssyncadd.s32 $0xFFFF8000  }
0x90: {  	v5 =	vld [tilespmem:$0x100];
	_ =	sdelay $0x4  }
0x91: {  	v6 =	vshll.u32 v5, $0x3  }
0x92: {  	v5 =	vand.u32 $0x7, v5;
	v6 =	vand.u32 $0xFFFFFFC0, v6  }
0x93: {  	v5 =	vor.u32 v5, v6  }
0x94: {  	v6 =	vperm.xlane v5, v1;
	_ =	sdelay $0x1  }
0x95: {  	v6 =	vadd.s32 v2, v6;
	_ =	sdelay $0x3  }
0x96: {  	s25 =	simm.s32 $0x8180  }
0x97: {  	[tilespmem:s25], [sflag:$0x1] =	stream.indirect_vreg.gather [hbm4b:s1+s24], $0x80, v6, vm0, $0xb8;
	[tilespmem:$0x18180] =	vst v63  }
0x98: {  	s26 =	simm.s32 $0x8980;
	v5 =	vperm.xlane v5, v3  }
0x99: {  	[tilespmem:s26], [sflag:$0x1] =	stream.indirect_vreg.gather [hbm4b:s7+s24], $0x80, v6, vm0, $0xb8;
	[tilespmem:$0x18180] =	vst v63  }
0x9a: {  	s28 =	simm.s32 $0x9180;
	v5 =	vadd.s32 v2, v5  }
0x9b: {  	[tilespmem:s28], [sflag:$0x1] =	stream.indirect_vreg.gather [hbm4b:s8+s24], $0x80, v6, vm0, $0xb8;
	[tilespmem:$0x18180] =	vst v63  }
0x9c: {  	s30 =	simm.s32 $0x9980  }
0x9d: {  	[tilespmem:s30], [sflag:$0x1] =	stream.indirect_vreg.gather [hbm4b:s9+s24], $0x80, v6, vm0, $0xb8;
	[tilespmem:$0x18180] =	vst v63  }
0x9e: {  	s31 =	simm.s32 $0xA180  }
0x9f: {  	[tilespmem:s31], [sflag:$0x1] =	stream.indirect_vreg.gather [hbm4b:s1+s24], $0x80, v5, vm0, $0xb8;
	[tilespmem:$0x18180] =	vst v63  }
0xa0: {  	_ = 	snop  }
0xa1: {  	[tilespmem:s10], [sflag:$0x1] =	stream.indirect_vreg.gather [hbm4b:s7+s24], $0x80, v5, vm0, $0xb8;
	[tilespmem:$0x18180] =	vst v63  }
0xa2: {  	_ = 	snop  }
0xa3: {  	[tilespmem:s2], [sflag:$0x1] =	stream.indirect_vreg.gather [hbm4b:s8+s24], $0x80, v5, vm0, $0xb8;
	[tilespmem:$0x18180] =	vst v63  }
0xa4: {  	_ = 	snop  }
0xa5: {  	[tilespmem:s12], [sflag:$0x1] =	stream.indirect_vreg.gather [hbm4b:s9+s24], $0x80, v5, vm0, $0xb8;
	[tilespmem:$0x18180] =	vst v63  }
0xa6: {  	v5 =	vld [tilespmem:$0x110];
	_ =	sdelay $0x4  }
0xa7: {  	v6 =	vshll.u32 v5, $0x3  }
0xa8: {  	v5 =	vand.u32 $0x7, v5;
	v6 =	vand.u32 $0xFFFFFFC0, v6  }
0xa9: {  	v5 =	vor.u32 v5, v6  }
0xaa: {  	v6 =	vperm.xlane v5, v1;
	_ =	sdelay $0x1  }
0xab: {  	v6 =	vadd.s32 v2, v6;
	_ =	sdelay $0x4  }
0xac: {  	[tilespmem:s13], [sflag:$0x1] =	stream.indirect_vreg.gather [hbm4b:s1+s24], $0x80, v6, vm0, $0xb8;
	[tilespmem:$0x18180] =	vst v63  }
0xad: {  	v5 =	vperm.xlane v5, v3  }
0xae: {  	[tilespmem:s14], [sflag:$0x1] =	stream.indirect_vreg.gather [hbm4b:s7+s24], $0x80, v6, vm0, $0xb8;
	[tilespmem:$0x18180] =	vst v63  }
0xaf: {  	v5 =	vadd.s32 v2, v5  }
0xb0: {  	[tilespmem:s15], [sflag:$0x1] =	stream.indirect_vreg.gather [hbm4b:s8+s24], $0x80, v6, vm0, $0xb8;
	[tilespmem:$0x18180] =	vst v63  }
0xb1: {  	_ = 	snop  }
0xb2: {  	[tilespmem:s16], [sflag:$0x1] =	stream.indirect_vreg.gather [hbm4b:s9+s24], $0x80, v6, vm0, $0xb8;
	[tilespmem:$0x18180] =	vst v63  }
0xb3: {  	_ = 	snop  }
0xb4: {  	[tilespmem:s17], [sflag:$0x1] =	stream.indirect_vreg.gather [hbm4b:s1+s24], $0x80, v5, vm0, $0xb8;
	[tilespmem:$0x18180] =	vst v63  }
0xb5: {  	_ = 	snop  }
0xb6: {  	[tilespmem:s18], [sflag:$0x1] =	stream.indirect_vreg.gather [hbm4b:s7+s24], $0x80, v5, vm0, $0xb8;
	[tilespmem:$0x18180] =	vst v63  }
0xb7: {  	_ = 	snop  }
0xb8: {  	[tilespmem:s19], [sflag:$0x1] =	stream.indirect_vreg.gather [hbm4b:s8+s24], $0x80, v5, vm0, $0xb8;
	[tilespmem:$0x18180] =	vst v63  }
0xb9: {  	_ = 	snop  }
0xba: {  	[tilespmem:s20], [sflag:$0x1] =	stream.indirect_vreg.gather [hbm4b:s9+s24], $0x80, v5, vm0, $0xb8;
	[tilespmem:$0x18180] =	vst v63  }
0xbb: {  	_ =	swait.ge [sflag:s29], $0x8000  }
0xbc: {  	[sflag:s29] =	ssyncset.done $0x0  }
0xbd: {  	s25 =	simm.s32 $0x0;
	[sflag:s29] =	ssyncadd.s32 $0xFFFF8000  }
.LBB2_3:
0xbe: {  	s0 =	sor.u32 s23, s25;
	s26 =	sshll.u32 s25, $0xA;
	s28 =	sshll.u32 s25, $0x7  }
0xbf: {  	s0 =	scvt.s32.f32 s0;
	s26 =	sand.u32 $0x6000, s26;
	s28 =	sand.u32 $0x380, s28  }
0xc0: {  	s4 =	sand.u32 $0x1C00, s24;
	s28 =	sor.u32 s26, s28  }
0xc1: {  	s3 =	sand.u32 $0x70, s24;
	v5 =	vmul.f32 s0, v4;
	s26 =	sor.u32 s4, s28  }
0xc2: {  	s26 =	sor.u32 s3, s26  }
0xc3: {  	v6 =	vmin.f32 v5, $8.191000000e+03;
	v5 =	vld [tilespmem:s26+$0x180]  }
0xc4: {  	v8 =	vld [tilespmem:s26+$0x8180];
	v7 =	vtrunc.f32 v6  }
0xc5: {  	s4 =	simm.s32 $0x80;
	v7 =	vcvt.f32.s32 v7  }
0xc6: {  	s30 =	simm.s32 $0x10;
	s0 =	sand.u32 $0x1C00, s4  }
0xc7: {  	s30 =	sand.u32 $0x70, s30;
	s0 =	sor.u32 s0, s28;
	v7 =	vcvt.s32.f32 v7  }
0xc8: {  	s30 =	sor.u32 s30, s0  }
0xc9: {  	v9 =	vsub.f32 v8, v5;
	v6 =	vsub.f32 v6, v7;
	v7 =	vld [tilespmem:s30+$0x180]  }
0xca: {  	v8 =	vld [tilespmem:s30+$0x8180]  }
0xcb: {  	s31 =	simm.s32 $0x20;
	s0 =	simm.s32 $0x100;
	v9 =	vmul.f32 v9, v6  }
.LBB2_4:
0xcc: {  	s3 =	sand.u32 $0x70, s31;
	s4 =	sand.u32 $0x1C00, s0;
	p0 =	sne.s32 s31, $0x3F0  }
.Ltmp0:
0xcd: {  	s31 =	sadd.s32 $0x10, s31;
	s4 =	sor.u32 s4, s28;
	v9 =	vadd.f32 v9, v5;
	(pc) =	sbr.rel @p0 .LBB2_4-.Ltmp0, $4  }
0xce: {  	s3 =	sor.u32 s3, s4;
	v5 =	vmov v7  }
0xcf: {  	v7 =	vld [tilespmem:s3+$0x180];
	v10 =	vsub.f32 v8, v5;
	[tilespmem:s26+$0x10180] =	vst v9;
	s26 =	smov.u32 s30;
	s30 =	smov.u32 s3  }
0xd0: {  	v8 =	vld [tilespmem:s30+$0x8180]  }
0xd1: {  	s0 =	sadd.s32 $0x80, s0;
	v9 =	vmul.f32 v10, v6  }
0xd2: {  	_ =	sdelay $0x2  }
0xd3: {  	s25 =	sadd.s32 $0x1, s25;
	v8 =	vsub.f32 v8, v7  }
0xd4: {  	p0 =	sne.s32 s25, $0x20  }
.Ltmp1:
0xd5: {  	v6 =	vmul.f32 v8, v6;
	(pc) =	sbr.rel @p0 .LBB2_3-.Ltmp1, $4  }
0xd6: {  	v5 =	vadd.f32 v9, v5  }
0xd7: {  	v6 =	vadd.f32 v6, v7  }
0xd8: {  	[tilespmem:s26+$0x10180] =	vst v5  }
0xd9: {  	[tilespmem:s30+$0x10180] =	vst v6  }
0xda: {  	s22 =	sadd.s32 $0x1, s22  }
0xdb: {  	s0 =	sshll.u32 s23, $0x7;
	p0 =	sne.s32 s22, $0x8  }
.Ltmp2:
0xdc: {  	s3 =	simm.s32 $0x0;
	s0 =	sadd.s32 s5, s0;
	(pc) =	sbr.rel @p0 .LBB2_2-.Ltmp2, $4  }
0xdd: {  	[hbm4b:s0+s3] =	stream.linear.scatter [tilespmem:s21], [sflag:$0x2], $0x8000, $0x38;
	[tilespmem:$0x18180] =	vst v63  }
0xde: {  	_ =	swait.ge [sflag:s11], $0x8000  }
0xdf: {  	[sflag:s11] =	ssyncset.done $0x0  }
0xe0: {  	[sflag:s11] =	ssyncadd.s32 $0xFFFF8000  }
0xe1: {  	s3 =	rddreg [dreg:$0x5]  }
0xe2: {  	s0 =	rddreg [dreg:$0x4];
	s3 =	sadd.s32 $0x1, s3  }
0xe3: {  	p0 =	sne.s32 s3, s0  }
.Ltmp3:
0xe4: {  	_ = 	snop;
	(pc) =	sbr.rel @p0 .LBB2_1-.Ltmp3, $1  }
0xe5: {  	_ =	sdelay $0x3  }
0xe6: {  	_ =	sfence.sel $0x180000  }
0xe7: {  	[bflag:$0x0] =	sbarrier.arrive $0xFFFF  }
0xe8: {  	_ =	strace $0x90000047  }
0xe9: {  	s0 =	stileid.u32;
	[bflag:$0x2] =	sbarrier.arrive $0xFFFF  }
0xea: {  	p0 =	sne.s32 s0, $0x0;
	s0 =	rddreg [dreg:$0x2]  }
0xeb: {  	s0 =	sadd.s32 @!p0 $0x100000, s0  }
0xec: {  	[sflag:s0] =	ssyncadd.tile.s32 @!p0 $0x1;
	_ =	shalt  }
.Lfunc_end2:
_tile_overlayer_lowered:
.L_overlay_start_2:
0xed: {  	(tag) =	ssettag $0x2  }
0xee: {  	s0 =	rddreg [dreg:$0x0];
	s2 =	stileid.u32  }
0xef: {  	s1 =	rddreg [dreg:$0x1];
	p0 =	sne.s32 s2, $0x0  }
0xf0: {  	s3 =	rddreg [dreg:$0x2];
	[bflag:$0x3] =	sbarrier.arrive $0xFFFF;
	s2 =	simm.s32 @!p0 $0x1C02  }
0xf1: {  	[timem:s3], [sflag:s2] =	dma.local @!p0 [hbm:s0], s1  }
0xf2: {  	s0 =	simm.s32 @!p0 $0x2  }
0xf3: {  	_ =	swait.ge @!p0 [sflag:s0], s1  }
0xf4: {  	s1 =	ssub.s32 @!p0 $0x0, s1;
	[sflag:s0] =	ssyncset.done @!p0 $0x0  }
0xf5: {  	[sflag:s0] =	ssyncadd.s32 @!p0 s1  }
0xf6: {  	[bflag:$0x3] =	sbarrier.arrive $0xFFFF  }
0xf7: {  	_ =	shalt  }

</sc_bundles>
